<compile_context>
chip_gen: v7x
topology: tpu7x:2x2x1
jax: 0.10.2.dev20260603
libtpu: 0.0.44.dev20260713+nightly
codegen_flags: <defaults>
</compile_context>

<pallas_src>
import functools

import jax
import jax.numpy as jnp
from jax import lax
from jax.experimental import pallas as pl
from jax.experimental.pallas import tpu as pltpu
from jax.experimental.pallas import tpu_sc as plsc

V = 64
H = 384
W = 384
HW = H * W

NC = 2
NS = 16
NW = NC * NS
VIEWS_PER_W = V // NW
ROWS_PER_CHUNK = 12
P = ROWS_PER_CHUNK * W
CH = P * 3
NCHUNK = HW // P
QSTEPS = W // 16

_mesh = plsc.VectorSubcoreMesh(
    core_axis_name="c", subcore_axis_name="s", num_cores=NC, num_subcores=NS)


@functools.partial(
    pl.kernel,
    out_type=jax.ShapeDtypeStruct((V * HW * 3,), jnp.float32),
    mesh=_mesh,
    scratch_types=[
        pltpu.VMEM((CH,), jnp.float32),
        pltpu.VMEM((CH,), jnp.float32),
        pltpu.VMEM((16,), jnp.float32),
    ],
    compiler_params=pltpu.CompilerParams(needs_layout_passes=False),
)
def _sc_transform(pts_hbm, coef_hbm, out_hbm, in_v, out_v, coef_v):
    cid = lax.axis_index("c")
    sid = lax.axis_index("s")
    wid = sid * NC + cid
    lanes = lax.iota(jnp.int32, 16)
    lanes3 = lanes * 3
    lanes_f = lanes.astype(jnp.float32)

    def view_body(vi, _):
        v = wid * VIEWS_PER_W + vi
        pltpu.sync_copy(coef_hbm.at[v], coef_v)
        row = coef_v[...]

        def bcast(j):
            return jnp.take(row, lanes * 0 + j)

        a0, a1, a2 = bcast(0), bcast(1), bcast(2)
        b0, b1, b2 = bcast(3), bcast(4), bcast(5)
        c0, c1, c2 = bcast(6), bcast(7), bcast(8)
        t0, t1, t2 = bcast(9), bcast(10), bcast(11)

        def chunk_body(ci, _):
            base = (v * HW + ci * P) * 3
            pltpu.sync_copy(pts_hbm.at[pl.ds(base, CH)], in_v)

            def row_body(r, _):
                py = (ci * ROWS_PER_CHUNK + r).astype(jnp.float32)
                e0 = b0 * py + c0
                e1 = b1 * py + c1
                e2 = b2 * py + c2
                row3 = r * (W * 3)

                def q_body(q, _):
                    px = q.astype(jnp.float32) * 16.0 + lanes_f
                    ib = row3 + q * 48 + lanes3
                    d = plsc.load_gather(in_v, [ib + 2])
                    x = d * (a0 * px + e0) + t0
                    y = d * (a1 * px + e1) + t1
                    z = d * (a2 * px + e2) + t2
                    plsc.store_scatter(out_v, [ib], x)
                    plsc.store_scatter(out_v, [ib + 1], y)
                    plsc.store_scatter(out_v, [ib + 2], z)
                    return 0

                return lax.fori_loop(0, QSTEPS, q_body, 0)

            lax.fori_loop(0, ROWS_PER_CHUNK, row_body, 0)
            pltpu.sync_copy(out_v, out_hbm.at[pl.ds(base, CH)])
            return 0

        return lax.fori_loop(0, NCHUNK, chunk_body, 0)

    lax.fori_loop(0, VIEWS_PER_W, view_body, 0)


def kernel(pts3d_cam, pixels, focals, pp, poses):
    del pixels
    fx = focals[:, 0:1]
    fy = focals[:, 1:2]
    a = poses[:, :3, 0] / fx
    b = poses[:, :3, 1] / fy
    c = poses[:, :3, 2] - a * pp[:, 0:1] - b * pp[:, 1:2]
    t = poses[:, :3, 3]
    coef = jnp.concatenate(
        [a, b, c, t, jnp.zeros((V, 4), jnp.float32)], axis=1)
    out_flat = _sc_transform(pts3d_cam.reshape(V * HW * 3), coef)
    return out_flat.reshape(V, HW, 3)

# --- scband reference (transcript-rebuilt; emitter-appended) ---
"""Pipeline reference for scband-global-point-cloud-optimizer-68315749810628 (READ-ONLY COPY).

The authoritative reference and input builder live on the scoring server;
editing this copy changes nothing except your own understanding.
"""

import jax, jax.numpy as jnp
import numpy as np

V = 64      # number of views (4 scenes x 16 poses per scene)
H = 384
W = 384
HW = H * W


def setup_inputs(seed: int = 0) -> dict:
    key = jax.random.key(seed)
    k1, k2, k3, k4 = jax.random.split(key, 4)
    # learned parameter: per-view camera-frame point cloud (only depth channel [...,2] is used)
    pts3d_cam = jax.random.normal(k1, (V, HW, 3), dtype=jnp.float32)
    # pixel grid, built exactly like the torch meshgrid/permute/reshape in __init__
    aW = jnp.arange(W, dtype=jnp.float32)
    aH = jnp.arange(H, dtype=jnp.float32)
    pixels_im = jnp.stack(jnp.meshgrid(aW, aH, indexing='ij'))      # [2, W, H]
    pixels_im = jnp.transpose(pixels_im, (2, 1, 0))                  # [H, W, 2]
    pixels = pixels_im.reshape(-1, 2)                                # [HW, 2]
    # focals = cat([fx, fy], -1); keep them strictly positive and realistic
    focals = jax.random.uniform(k2, (V, 2), dtype=jnp.float32) * 100.0 + 300.0
    # principal points = cat([cx, cy], -1), near image center
    pp = jax.random.uniform(k3, (V, 2), dtype=jnp.float32) * 20.0 + (W / 2.0 - 10.0)
    # camera-to-world poses [V, 4, 4]
    poses = jax.random.normal(k4, (V, 4, 4), dtype=jnp.float32)
    return {"pts3d_cam": pts3d_cam, "pixels": pixels, "focals": focals, "pp": pp, "poses": poses}


def fast_depthmap_to_pts3d(depth, pixel_grid, focal, pp):
    # depth: [V, HW]; pixel_grid: [HW, 2]; focal: [V, 2]; pp: [V, 2]
    pp = pp[:, None, :]          # [V, 1, 2]
    focal = focal[:, None, :]    # [V, 1, 2]
    depth = depth[..., None]     # [V, HW, 1]
    return jnp.concatenate((depth * (pixel_grid - pp) / focal, depth), axis=-1)  # [V, HW, 3]


def reference(pts3d_cam, pixels, focals, pp, poses):
    # faithful translation of GlobalPointCloudOptimizer.pts3d_world()
    depth = pts3d_cam[..., 2]                                   # [V, HW]
    pts3d = fast_depthmap_to_pts3d(depth, pixels, focals, pp)   # [V, HW, 3]
    ones = jnp.ones_like(pts3d_cam[..., :1])                    # [V, HW, 1]
    homog = jnp.concatenate([pts3d, ones], axis=-1)             # [V, HW, 4]
    transformed = poses @ jnp.swapaxes(homog, 1, 2)             # [V, 4, HW]
    return jnp.swapaxes(transformed, 1, 2)[..., :3]             # [V, HW, 3]

if __name__ == "__main__":
    import jax
    _d = setup_inputs()
    print(jax.jit(kernel)(*tuple(_d.values())))

</pallas_src>

<mosaic_0001>
#map = affine_map<(d0, d1) -> (0)>
#map1 = affine_map<(d0, d1) -> (0, 0)>
module attributes {stable_mosaic.version = 14 : i64} {
  func.func @_sc_transform(%arg0: i32, %arg1: i32, %arg2: memref<28311552xf32, #tpu.memory_space<hbm>>, %arg3: memref<64x16xf32, #tpu.memory_space<hbm>>, %arg4: memref<28311552xf32, #tpu.memory_space<hbm>>, %arg5: memref<13824xf32, #tpu.memory_space<vmem>>, %arg6: memref<13824xf32, #tpu.memory_space<vmem>>, %arg7: memref<16xf32, #tpu.memory_space<vmem>>) attributes {dimension_semantics = [#tpu.dimension_semantics<core_parallel>, #tpu.dimension_semantics<subcore_parallel>], iteration_bounds = array<i64: 2, 16>, scalar_prefetch = 0 : i64, scratch_operands = 3 : i64, tpu.core_type = #tpu.core_type<sc_vector_subcore>, window_params = [{transform_indices = #map}, {transform_indices = #map1}, {transform_indices = #map}]} {
    %mul3A = arith.constant 2 : i32
    %mul3A_0 = arith.muli %arg1, %mul3A : i32
    %add3A = arith.addi %mul3A_0, %arg0 : i32
    %iota3A = tpu.iota {dimensions = array<i32: 0>} : vector<16xi32>
    %mul3A_1 = arith.constant 3 : i32
    %mul3A_2 = vector.broadcast %mul3A_1 : i32 to vector<16xi32>
    %mul3A_3 = arith.muli %iota3A, %mul3A_2 : vector<16xi32>
    %convert_element_type3A = arith.sitofp %iota3A : vector<16xi32> to vector<16xf32>
    %scan3A = arith.constant 0 : i32
    %scan3A_4 = arith.constant 0 : i32
    %scan3A_5 = arith.constant 2 : i32
    %scan3A_6 = arith.addi %scan3A_4, %scan3A_5 : i32
    %scan3A_7 = arith.constant 1 : i32
    %scan3A_8 = scf.for %scan3A_10 = %scan3A_4 to %scan3A_6 step %scan3A_7 iter_args(%scan3A_11 = %scan3A) -> (i32)  : i32 {
      %mul3A_12 = arith.constant 2 : i32
      %mul3A_13 = arith.muli %add3A, %mul3A_12 : i32
      %add3A_14 = arith.addi %mul3A_13, %scan3A_10 : i32
      "tpu.region"() ({
        %run_scoped3A = tpu.sem_alloc : memref<!tpu.dma_semaphore, #tpu.memory_space<semaphore_mem>>
        %dma_start3A = arith.constant 0 : i32
        %dma_start3A_211 = tpu.memref_slice %arg3[%add3A_14, %dma_start3A] : memref<64x16xf32, #tpu.memory_space<hbm>> -> memref<1x16xf32, #tpu.memory_space<hbm>>
        %dma_start3A_212 = tpu.memref_squeeze %dma_start3A_211 : memref<1x16xf32, #tpu.memory_space<hbm>> -> memref<16xf32, #tpu.memory_space<hbm>>
        %dma_start3A_213 = arith.constant 0 : i32
        %dma_start3A_214 = tpu.memref_slice %arg3[%add3A_14, %dma_start3A_213] : memref<64x16xf32, #tpu.memory_space<hbm>> -> memref<1x16xf32, #tpu.memory_space<hbm>>
        %dma_start3A_215 = tpu.memref_squeeze %dma_start3A_214 : memref<1x16xf32, #tpu.memory_space<hbm>> -> memref<16xf32, #tpu.memory_space<hbm>>
        tpu.enqueue_dma source(%dma_start3A_215 : memref<16xf32, #tpu.memory_space<hbm>>) target(%arg7 : memref<16xf32, #tpu.memory_space<vmem>>) target_semaphore(%run_scoped3A : memref<!tpu.dma_semaphore, #tpu.memory_space<semaphore_mem>>)
        %dma_wait3A = arith.constant 0 : i32
        %dma_wait3A_216 = tpu.memref_slice %arg3[%add3A_14, %dma_wait3A] : memref<64x16xf32, #tpu.memory_space<hbm>> -> memref<1x16xf32, #tpu.memory_space<hbm>>
        %dma_wait3A_217 = tpu.memref_squeeze %dma_wait3A_216 : memref<1x16xf32, #tpu.memory_space<hbm>> -> memref<16xf32, #tpu.memory_space<hbm>>
        %dma_wait3A_218 = arith.constant 0 : i32
        %dma_wait3A_219 = tpu.memref_slice %arg3[%add3A_14, %dma_wait3A_218] : memref<64x16xf32, #tpu.memory_space<hbm>> -> memref<1x16xf32, #tpu.memory_space<hbm>>
        %dma_wait3A_220 = tpu.memref_squeeze %dma_wait3A_219 : memref<1x16xf32, #tpu.memory_space<hbm>> -> memref<16xf32, #tpu.memory_space<hbm>>
        tpu.wait_dma2 semaphore(%run_scoped3A : memref<!tpu.dma_semaphore, #tpu.memory_space<semaphore_mem>>) src(%dma_wait3A_220 : memref<16xf32, #tpu.memory_space<hbm>>) dst(%arg7 : memref<16xf32, #tpu.memory_space<vmem>>)
        tpu.yield
      }) : () -> ()
      %get3A = arith.constant 0 : index
      %get3A_15 = tpu.vector_load %arg7[%get3A] {strides = array<i32>} : memref<16xf32, #tpu.memory_space<vmem>>, vector<16xf32>,
      %mul3A_16 = arith.constant 0 : i32
      %mul3A_17 = vector.broadcast %mul3A_16 : i32 to vector<16xi32>
      %mul3A_18 = arith.muli %iota3A, %mul3A_17 : vector<16xi32>
      %add3A_19 = arith.constant 0 : i32
      %add3A_20 = vector.broadcast %add3A_19 : i32 to vector<16xi32>
      %add3A_21 = arith.addi %mul3A_18, %add3A_20 : vector<16xi32>
      %lt3A = arith.constant 0 : i32
      %lt3A_22 = vector.broadcast %lt3A : i32 to vector<16xi32>
      %lt3A_23 = arith.cmpi slt, %add3A_21, %lt3A_22 : vector<16xi32>
      %add3A_24 = arith.constant 16 : i32
      %add3A_25 = vector.broadcast %add3A_24 : i32 to vector<16xi32>
      %add3A_26 = arith.addi %add3A_21, %add3A_25 : vector<16xi32>
      %select_n3A = arith.select %lt3A_23, %add3A_26, %add3A_21 : vector<16xi1>, vector<16xi32>
      %broadcast_in_dim3A = vector.shape_cast %select_n3A : vector<16xi32> to vector<16x1xi32>
      %gather3A = vector.shape_cast %broadcast_in_dim3A : vector<16x1xi32> to vector<16xi32>
      %gather3A_27 = tpu.dynamic_gather %get3A_15[%gather3A] in [0] : vector<16xf32>, vector<16xi32> -> vector<16xf32>
      %mul3A_28 = arith.constant 0 : i32
      %mul3A_29 = vector.broadcast %mul3A_28 : i32 to vector<16xi32>
      %mul3A_30 = arith.muli %iota3A, %mul3A_29 : vector<16xi32>
      %add3A_31 = arith.constant 1 : i32
      %add3A_32 = vector.broadcast %add3A_31 : i32 to vector<16xi32>
      %add3A_33 = arith.addi %mul3A_30, %add3A_32 : vector<16xi32>
      %lt3A_34 = arith.constant 0 : i32
      %lt3A_35 = vector.broadcast %lt3A_34 : i32 to vector<16xi32>
      %lt3A_36 = arith.cmpi slt, %add3A_33, %lt3A_35 : vector<16xi32>
      %add3A_37 = arith.constant 16 : i32
      %add3A_38 = vector.broadcast %add3A_37 : i32 to vector<16xi32>
      %add3A_39 = arith.addi %add3A_33, %add3A_38 : vector<16xi32>
      %select_n3A_40 = arith.select %lt3A_36, %add3A_39, %add3A_33 : vector<16xi1>, vector<16xi32>
      %broadcast_in_dim3A_41 = vector.shape_cast %select_n3A_40 : vector<16xi32> to vector<16x1xi32>
      %gather3A_42 = vector.shape_cast %broadcast_in_dim3A_41 : vector<16x1xi32> to vector<16xi32>
      %gather3A_43 = tpu.dynamic_gather %get3A_15[%gather3A_42] in [0] : vector<16xf32>, vector<16xi32> -> vector<16xf32>
      %mul3A_44 = arith.constant 0 : i32
      %mul3A_45 = vector.broadcast %mul3A_44 : i32 to vector<16xi32>
      %mul3A_46 = arith.muli %iota3A, %mul3A_45 : vector<16xi32>
      %add3A_47 = arith.constant 2 : i32
      %add3A_48 = vector.broadcast %add3A_47 : i32 to vector<16xi32>
      %add3A_49 = arith.addi %mul3A_46, %add3A_48 : vector<16xi32>
      %lt3A_50 = arith.constant 0 : i32
      %lt3A_51 = vector.broadcast %lt3A_50 : i32 to vector<16xi32>
      %lt3A_52 = arith.cmpi slt, %add3A_49, %lt3A_51 : vector<16xi32>
      %add3A_53 = arith.constant 16 : i32
      %add3A_54 = vector.broadcast %add3A_53 : i32 to vector<16xi32>
      %add3A_55 = arith.addi %add3A_49, %add3A_54 : vector<16xi32>
      %select_n3A_56 = arith.select %lt3A_52, %add3A_55, %add3A_49 : vector<16xi1>, vector<16xi32>
      %broadcast_in_dim3A_57 = vector.shape_cast %select_n3A_56 : vector<16xi32> to vector<16x1xi32>
      %gather3A_58 = vector.shape_cast %broadcast_in_dim3A_57 : vector<16x1xi32> to vector<16xi32>
      %gather3A_59 = tpu.dynamic_gather %get3A_15[%gather3A_58] in [0] : vector<16xf32>, vector<16xi32> -> vector<16xf32>
      %mul3A_60 = arith.constant 0 : i32
      %mul3A_61 = vector.broadcast %mul3A_60 : i32 to vector<16xi32>
      %mul3A_62 = arith.muli %iota3A, %mul3A_61 : vector<16xi32>
      %add3A_63 = arith.constant 3 : i32
      %add3A_64 = vector.broadcast %add3A_63 : i32 to vector<16xi32>
      %add3A_65 = arith.addi %mul3A_62, %add3A_64 : vector<16xi32>
      %lt3A_66 = arith.constant 0 : i32
      %lt3A_67 = vector.broadcast %lt3A_66 : i32 to vector<16xi32>
      %lt3A_68 = arith.cmpi slt, %add3A_65, %lt3A_67 : vector<16xi32>
      %add3A_69 = arith.constant 16 : i32
      %add3A_70 = vector.broadcast %add3A_69 : i32 to vector<16xi32>
      %add3A_71 = arith.addi %add3A_65, %add3A_70 : vector<16xi32>
      %select_n3A_72 = arith.select %lt3A_68, %add3A_71, %add3A_65 : vector<16xi1>, vector<16xi32>
      %broadcast_in_dim3A_73 = vector.shape_cast %select_n3A_72 : vector<16xi32> to vector<16x1xi32>
      %gather3A_74 = vector.shape_cast %broadcast_in_dim3A_73 : vector<16x1xi32> to vector<16xi32>
      %gather3A_75 = tpu.dynamic_gather %get3A_15[%gather3A_74] in [0] : vector<16xf32>, vector<16xi32> -> vector<16xf32>
      %mul3A_76 = arith.constant 0 : i32
      %mul3A_77 = vector.broadcast %mul3A_76 : i32 to vector<16xi32>
      %mul3A_78 = arith.muli %iota3A, %mul3A_77 : vector<16xi32>
      %add3A_79 = arith.constant 4 : i32
      %add3A_80 = vector.broadcast %add3A_79 : i32 to vector<16xi32>
      %add3A_81 = arith.addi %mul3A_78, %add3A_80 : vector<16xi32>
      %lt3A_82 = arith.constant 0 : i32
      %lt3A_83 = vector.broadcast %lt3A_82 : i32 to vector<16xi32>
      %lt3A_84 = arith.cmpi slt, %add3A_81, %lt3A_83 : vector<16xi32>
      %add3A_85 = arith.constant 16 : i32
      %add3A_86 = vector.broadcast %add3A_85 : i32 to vector<16xi32>
      %add3A_87 = arith.addi %add3A_81, %add3A_86 : vector<16xi32>
      %select_n3A_88 = arith.select %lt3A_84, %add3A_87, %add3A_81 : vector<16xi1>, vector<16xi32>
      %broadcast_in_dim3A_89 = vector.shape_cast %select_n3A_88 : vector<16xi32> to vector<16x1xi32>
      %gather3A_90 = vector.shape_cast %broadcast_in_dim3A_89 : vector<16x1xi32> to vector<16xi32>
      %gather3A_91 = tpu.dynamic_gather %get3A_15[%gather3A_90] in [0] : vector<16xf32>, vector<16xi32> -> vector<16xf32>
      %mul3A_92 = arith.constant 0 : i32
      %mul3A_93 = vector.broadcast %mul3A_92 : i32 to vector<16xi32>
      %mul3A_94 = arith.muli %iota3A, %mul3A_93 : vector<16xi32>
      %add3A_95 = arith.constant 5 : i32
      %add3A_96 = vector.broadcast %add3A_95 : i32 to vector<16xi32>
      %add3A_97 = arith.addi %mul3A_94, %add3A_96 : vector<16xi32>
      %lt3A_98 = arith.constant 0 : i32
      %lt3A_99 = vector.broadcast %lt3A_98 : i32 to vector<16xi32>
      %lt3A_100 = arith.cmpi slt, %add3A_97, %lt3A_99 : vector<16xi32>
      %add3A_101 = arith.constant 16 : i32
      %add3A_102 = vector.broadcast %add3A_101 : i32 to vector<16xi32>
      %add3A_103 = arith.addi %add3A_97, %add3A_102 : vector<16xi32>
      %select_n3A_104 = arith.select %lt3A_100, %add3A_103, %add3A_97 : vector<16xi1>, vector<16xi32>
      %broadcast_in_dim3A_105 = vector.shape_cast %select_n3A_104 : vector<16xi32> to vector<16x1xi32>
      %gather3A_106 = vector.shape_cast %broadcast_in_dim3A_105 : vector<16x1xi32> to vector<16xi32>
      %gather3A_107 = tpu.dynamic_gather %get3A_15[%gather3A_106] in [0] : vector<16xf32>, vector<16xi32> -> vector<16xf32>
      %mul3A_108 = arith.constant 0 : i32
      %mul3A_109 = vector.broadcast %mul3A_108 : i32 to vector<16xi32>
      %mul3A_110 = arith.muli %iota3A, %mul3A_109 : vector<16xi32>
      %add3A_111 = arith.constant 6 : i32
      %add3A_112 = vector.broadcast %add3A_111 : i32 to vector<16xi32>
      %add3A_113 = arith.addi %mul3A_110, %add3A_112 : vector<16xi32>
      %lt3A_114 = arith.constant 0 : i32
      %lt3A_115 = vector.broadcast %lt3A_114 : i32 to vector<16xi32>
      %lt3A_116 = arith.cmpi slt, %add3A_113, %lt3A_115 : vector<16xi32>
      %add3A_117 = arith.constant 16 : i32
      %add3A_118 = vector.broadcast %add3A_117 : i32 to vector<16xi32>
      %add3A_119 = arith.addi %add3A_113, %add3A_118 : vector<16xi32>
      %select_n3A_120 = arith.select %lt3A_116, %add3A_119, %add3A_113 : vector<16xi1>, vector<16xi32>
      %broadcast_in_dim3A_121 = vector.shape_cast %select_n3A_120 : vector<16xi32> to vector<16x1xi32>
      %gather3A_122 = vector.shape_cast %broadcast_in_dim3A_121 : vector<16x1xi32> to vector<16xi32>
      %gather3A_123 = tpu.dynamic_gather %get3A_15[%gather3A_122] in [0] : vector<16xf32>, vector<16xi32> -> vector<16xf32>
      %mul3A_124 = arith.constant 0 : i32
      %mul3A_125 = vector.broadcast %mul3A_124 : i32 to vector<16xi32>
      %mul3A_126 = arith.muli %iota3A, %mul3A_125 : vector<16xi32>
      %add3A_127 = arith.constant 7 : i32
      %add3A_128 = vector.broadcast %add3A_127 : i32 to vector<16xi32>
      %add3A_129 = arith.addi %mul3A_126, %add3A_128 : vector<16xi32>
      %lt3A_130 = arith.constant 0 : i32
      %lt3A_131 = vector.broadcast %lt3A_130 : i32 to vector<16xi32>
      %lt3A_132 = arith.cmpi slt, %add3A_129, %lt3A_131 : vector<16xi32>
      %add3A_133 = arith.constant 16 : i32
      %add3A_134 = vector.broadcast %add3A_133 : i32 to vector<16xi32>
      %add3A_135 = arith.addi %add3A_129, %add3A_134 : vector<16xi32>
      %select_n3A_136 = arith.select %lt3A_132, %add3A_135, %add3A_129 : vector<16xi1>, vector<16xi32>
      %broadcast_in_dim3A_137 = vector.shape_cast %select_n3A_136 : vector<16xi32> to vector<16x1xi32>
      %gather3A_138 = vector.shape_cast %broadcast_in_dim3A_137 : vector<16x1xi32> to vector<16xi32>
      %gather3A_139 = tpu.dynamic_gather %get3A_15[%gather3A_138] in [0] : vector<16xf32>, vector<16xi32> -> vector<16xf32>
      %mul3A_140 = arith.constant 0 : i32
      %mul3A_141 = vector.broadcast %mul3A_140 : i32 to vector<16xi32>
      %mul3A_142 = arith.muli %iota3A, %mul3A_141 : vector<16xi32>
      %add3A_143 = arith.constant 8 : i32
      %add3A_144 = vector.broadcast %add3A_143 : i32 to vector<16xi32>
      %add3A_145 = arith.addi %mul3A_142, %add3A_144 : vector<16xi32>
      %lt3A_146 = arith.constant 0 : i32
      %lt3A_147 = vector.broadcast %lt3A_146 : i32 to vector<16xi32>
      %lt3A_148 = arith.cmpi slt, %add3A_145, %lt3A_147 : vector<16xi32>
      %add3A_149 = arith.constant 16 : i32
      %add3A_150 = vector.broadcast %add3A_149 : i32 to vector<16xi32>
      %add3A_151 = arith.addi %add3A_145, %add3A_150 : vector<16xi32>
      %select_n3A_152 = arith.select %lt3A_148, %add3A_151, %add3A_145 : vector<16xi1>, vector<16xi32>
      %broadcast_in_dim3A_153 = vector.shape_cast %select_n3A_152 : vector<16xi32> to vector<16x1xi32>
      %gather3A_154 = vector.shape_cast %broadcast_in_dim3A_153 : vector<16x1xi32> to vector<16xi32>
      %gather3A_155 = tpu.dynamic_gather %get3A_15[%gather3A_154] in [0] : vector<16xf32>, vector<16xi32> -> vector<16xf32>
      %mul3A_156 = arith.constant 0 : i32
      %mul3A_157 = vector.broadcast %mul3A_156 : i32 to vector<16xi32>
      %mul3A_158 = arith.muli %iota3A, %mul3A_157 : vector<16xi32>
      %add3A_159 = arith.constant 9 : i32
      %add3A_160 = vector.broadcast %add3A_159 : i32 to vector<16xi32>
      %add3A_161 = arith.addi %mul3A_158, %add3A_160 : vector<16xi32>
      %lt3A_162 = arith.constant 0 : i32
      %lt3A_163 = vector.broadcast %lt3A_162 : i32 to vector<16xi32>
      %lt3A_164 = arith.cmpi slt, %add3A_161, %lt3A_163 : vector<16xi32>
      %add3A_165 = arith.constant 16 : i32
      %add3A_166 = vector.broadcast %add3A_165 : i32 to vector<16xi32>
      %add3A_167 = arith.addi %add3A_161, %add3A_166 : vector<16xi32>
      %select_n3A_168 = arith.select %lt3A_164, %add3A_167, %add3A_161 : vector<16xi1>, vector<16xi32>
      %broadcast_in_dim3A_169 = vector.shape_cast %select_n3A_168 : vector<16xi32> to vector<16x1xi32>
      %gather3A_170 = vector.shape_cast %broadcast_in_dim3A_169 : vector<16x1xi32> to vector<16xi32>
      %gather3A_171 = tpu.dynamic_gather %get3A_15[%gather3A_170] in [0] : vector<16xf32>, vector<16xi32> -> vector<16xf32>
      %mul3A_172 = arith.constant 0 : i32
      %mul3A_173 = vector.broadcast %mul3A_172 : i32 to vector<16xi32>
      %mul3A_174 = arith.muli %iota3A, %mul3A_173 : vector<16xi32>
      %add3A_175 = arith.constant 10 : i32
      %add3A_176 = vector.broadcast %add3A_175 : i32 to vector<16xi32>
      %add3A_177 = arith.addi %mul3A_174, %add3A_176 : vector<16xi32>
      %lt3A_178 = arith.constant 0 : i32
      %lt3A_179 = vector.broadcast %lt3A_178 : i32 to vector<16xi32>
      %lt3A_180 = arith.cmpi slt, %add3A_177, %lt3A_179 : vector<16xi32>
      %add3A_181 = arith.constant 16 : i32
      %add3A_182 = vector.broadcast %add3A_181 : i32 to vector<16xi32>
      %add3A_183 = arith.addi %add3A_177, %add3A_182 : vector<16xi32>
      %select_n3A_184 = arith.select %lt3A_180, %add3A_183, %add3A_177 : vector<16xi1>, vector<16xi32>
      %broadcast_in_dim3A_185 = vector.shape_cast %select_n3A_184 : vector<16xi32> to vector<16x1xi32>
      %gather3A_186 = vector.shape_cast %broadcast_in_dim3A_185 : vector<16x1xi32> to vector<16xi32>
      %gather3A_187 = tpu.dynamic_gather %get3A_15[%gather3A_186] in [0] : vector<16xf32>, vector<16xi32> -> vector<16xf32>
      %mul3A_188 = arith.constant 0 : i32
      %mul3A_189 = vector.broadcast %mul3A_188 : i32 to vector<16xi32>
      %mul3A_190 = arith.muli %iota3A, %mul3A_189 : vector<16xi32>
      %add3A_191 = arith.constant 11 : i32
      %add3A_192 = vector.broadcast %add3A_191 : i32 to vector<16xi32>
      %add3A_193 = arith.addi %mul3A_190, %add3A_192 : vector<16xi32>
      %lt3A_194 = arith.constant 0 : i32
      %lt3A_195 = vector.broadcast %lt3A_194 : i32 to vector<16xi32>
      %lt3A_196 = arith.cmpi slt, %add3A_193, %lt3A_195 : vector<16xi32>
      %add3A_197 = arith.constant 16 : i32
      %add3A_198 = vector.broadcast %add3A_197 : i32 to vector<16xi32>
      %add3A_199 = arith.addi %add3A_193, %add3A_198 : vector<16xi32>
      %select_n3A_200 = arith.select %lt3A_196, %add3A_199, %add3A_193 : vector<16xi1>, vector<16xi32>
      %broadcast_in_dim3A_201 = vector.shape_cast %select_n3A_200 : vector<16xi32> to vector<16x1xi32>
      %gather3A_202 = vector.shape_cast %broadcast_in_dim3A_201 : vector<16x1xi32> to vector<16xi32>
      %gather3A_203 = tpu.dynamic_gather %get3A_15[%gather3A_202] in [0] : vector<16xf32>, vector<16xi32> -> vector<16xf32>
      %scan3A_204 = arith.constant 0 : i32
      %scan3A_205 = arith.constant 0 : i32
      %scan3A_206 = arith.constant 32 : i32
      %scan3A_207 = arith.addi %scan3A_205, %scan3A_206 : i32
      %scan3A_208 = arith.constant 1 : i32
      %scan3A_209 = scf.for %scan3A_211 = %scan3A_205 to %scan3A_207 step %scan3A_208 iter_args(%scan3A_212 = %scan3A_204) -> (i32)  : i32 {
        %mul3A_213 = arith.constant 147456 : i32
        %mul3A_214 = arith.muli %add3A_14, %mul3A_213 : i32
        %mul3A_215 = arith.constant 4608 : i32
        %mul3A_216 = arith.muli %scan3A_211, %mul3A_215 : i32
        %add3A_217 = arith.addi %mul3A_214, %mul3A_216 : i32
        %mul3A_218 = arith.constant 3 : i32
        %mul3A_219 = arith.muli %add3A_217, %mul3A_218 : i32
        "tpu.region"() ({
          %run_scoped3A = tpu.sem_alloc : memref<!tpu.dma_semaphore, #tpu.memory_space<semaphore_mem>>
          %dma_start3A = tpu.memref_slice %arg2[%mul3A_219] : memref<28311552xf32, #tpu.memory_space<hbm>> -> memref<13824xf32, #tpu.memory_space<hbm>>
          %dma_start3A_228 = tpu.memref_slice %arg2[%mul3A_219] : memref<28311552xf32, #tpu.memory_space<hbm>> -> memref<13824xf32, #tpu.memory_space<hbm>>
          tpu.enqueue_dma source(%dma_start3A_228 : memref<13824xf32, #tpu.memory_space<hbm>>) target(%arg5 : memref<13824xf32, #tpu.memory_space<vmem>>) target_semaphore(%run_scoped3A : memref<!tpu.dma_semaphore, #tpu.memory_space<semaphore_mem>>)
          %dma_wait3A = tpu.memref_slice %arg2[%mul3A_219] : memref<28311552xf32, #tpu.memory_space<hbm>> -> memref<13824xf32, #tpu.memory_space<hbm>>
          %dma_wait3A_229 = tpu.memref_slice %arg2[%mul3A_219] : memref<28311552xf32, #tpu.memory_space<hbm>> -> memref<13824xf32, #tpu.memory_space<hbm>>
          tpu.wait_dma2 semaphore(%run_scoped3A : memref<!tpu.dma_semaphore, #tpu.memory_space<semaphore_mem>>) src(%dma_wait3A_229 : memref<13824xf32, #tpu.memory_space<hbm>>) dst(%arg5 : memref<13824xf32, #tpu.memory_space<vmem>>)
          tpu.yield
        }) : () -> ()
        %scan3A_220 = arith.constant 0 : i32
        %scan3A_221 = arith.constant 0 : i32
        %scan3A_222 = arith.constant 12 : i32
        %scan3A_223 = arith.addi %scan3A_221, %scan3A_222 : i32
        %scan3A_224 = arith.constant 1 : i32
        %scan3A_225 = scf.for %scan3A_228 = %scan3A_221 to %scan3A_223 step %scan3A_224 iter_args(%scan3A_229 = %scan3A_220) -> (i32)  : i32 {
          %mul3A_230 = arith.constant 12 : i32
          %mul3A_231 = arith.muli %scan3A_211, %mul3A_230 : i32
          %add3A_232 = arith.addi %mul3A_231, %scan3A_228 : i32
          %convert_element_type3A_233 = arith.sitofp %add3A_232 : i32 to f32
          %mul3A_234 = vector.broadcast %convert_element_type3A_233 : f32 to vector<16xf32>
          %mul3A_235 = arith.mulf %gather3A_75, %mul3A_234 : vector<16xf32>
          %add3A_236 = arith.addf %mul3A_235, %gather3A_123 : vector<16xf32>
          %mul3A_237 = vector.broadcast %convert_element_type3A_233 : f32 to vector<16xf32>
          %mul3A_238 = arith.mulf %gather3A_91, %mul3A_237 : vector<16xf32>
          %add3A_239 = arith.addf %mul3A_238, %gather3A_139 : vector<16xf32>
          %mul3A_240 = vector.broadcast %convert_element_type3A_233 : f32 to vector<16xf32>
          %mul3A_241 = arith.mulf %gather3A_107, %mul3A_240 : vector<16xf32>
          %add3A_242 = arith.addf %mul3A_241, %gather3A_155 : vector<16xf32>
          %mul3A_243 = arith.constant 1152 : i32
          %mul3A_244 = arith.muli %scan3A_228, %mul3A_243 : i32
          %scan3A_245 = arith.constant 0 : i32
          %scan3A_246 = arith.constant 0 : i32
          %scan3A_247 = arith.constant 24 : i32
          %scan3A_248 = arith.addi %scan3A_246, %scan3A_247 : i32
          %scan3A_249 = arith.constant 1 : i32
          %scan3A_250 = scf.for %scan3A_252 = %scan3A_246 to %scan3A_248 step %scan3A_249 iter_args(%scan3A_253 = %scan3A_245) -> (i32)  : i32 {
            %convert_element_type3A_254 = arith.sitofp %scan3A_252 : i32 to f32
            %mul3A_255 = arith.constant 1.600000e+01 : f32
            %mul3A_256 = arith.mulf %convert_element_type3A_254, %mul3A_255 : f32
            %add3A_257 = vector.broadcast %mul3A_256 : f32 to vector<16xf32>
            %add3A_258 = arith.addf %add3A_257, %convert_element_type3A : vector<16xf32>
            %mul3A_259 = arith.constant 48 : i32
            %mul3A_260 = arith.muli %scan3A_252, %mul3A_259 : i32
            %add3A_261 = arith.addi %mul3A_244, %mul3A_260 : i32
            %add3A_262 = vector.broadcast %add3A_261 : i32 to vector<16xi32>
            %add3A_263 = arith.addi %add3A_262, %mul3A_3 : vector<16xi32>
            %add3A_264 = arith.constant 2 : i32
            %add3A_265 = vector.broadcast %add3A_264 : i32 to vector<16xi32>
            %add3A_266 = arith.addi %add3A_263, %add3A_265 : vector<16xi32>
            %gather3A_267 = tpu.vector_load_idx %arg5[%add3A_266] : memref<13824xf32, #tpu.memory_space<vmem>>[vector<16xi32>], vector<16xf32>,
            %mul3A_268 = arith.mulf %gather3A_27, %add3A_258 : vector<16xf32>
            %add3A_269 = arith.addf %mul3A_268, %add3A_236 : vector<16xf32>
            %mul3A_270 = arith.mulf %gather3A_267, %add3A_269 : vector<16xf32>
            %add3A_271 = arith.addf %mul3A_270, %gather3A_171 : vector<16xf32>
            %mul3A_272 = arith.mulf %gather3A_43, %add3A_258 : vector<16xf32>
            %add3A_273 = arith.addf %mul3A_272, %add3A_239 : vector<16xf32>
            %mul3A_274 = arith.mulf %gather3A_267, %add3A_273 : vector<16xf32>
            %add3A_275 = arith.addf %mul3A_274, %gather3A_187 : vector<16xf32>
            %mul3A_276 = arith.mulf %gather3A_59, %add3A_258 : vector<16xf32>
            %add3A_277 = arith.addf %mul3A_276, %add3A_242 : vector<16xf32>
            %mul3A_278 = arith.mulf %gather3A_267, %add3A_277 : vector<16xf32>
            %add3A_279 = arith.addf %mul3A_278, %gather3A_203 : vector<16xf32>
            tpu.vector_store_idx %arg6[%add3A_263], %add3A_271 : memref<13824xf32, #tpu.memory_space<vmem>>[vector<16xi32>], vector<16xf32>,
            %add3A_280 = arith.constant 1 : i32
            %add3A_281 = vector.broadcast %add3A_280 : i32 to vector<16xi32>
            %add3A_282 = arith.addi %add3A_263, %add3A_281 : vector<16xi32>
            tpu.vector_store_idx %arg6[%add3A_282], %add3A_275 : memref<13824xf32, #tpu.memory_space<vmem>>[vector<16xi32>], vector<16xf32>,
            %add3A_283 = arith.constant 2 : i32
            %add3A_284 = vector.broadcast %add3A_283 : i32 to vector<16xi32>
            %add3A_285 = arith.addi %add3A_263, %add3A_284 : vector<16xi32>
            tpu.vector_store_idx %arg6[%add3A_285], %add3A_279 : memref<13824xf32, #tpu.memory_space<vmem>>[vector<16xi32>], vector<16xf32>,
            %scan3A_286 = arith.constant 0 : i32
            scf.yield %scan3A_286 : i32
          }
          %scan3A_251 = arith.constant 24 : i32
          scf.yield %scan3A_250 : i32
        }
        %scan3A_226 = arith.constant 12 : i32
        "tpu.region"() ({
          %run_scoped3A = tpu.sem_alloc : memref<!tpu.dma_semaphore, #tpu.memory_space<semaphore_mem>>
          %dma_start3A = tpu.memref_slice %arg4[%mul3A_219] : memref<28311552xf32, #tpu.memory_space<hbm>> -> memref<13824xf32, #tpu.memory_space<hbm>>
          %dma_start3A_228 = tpu.memref_slice %arg4[%mul3A_219] : memref<28311552xf32, #tpu.memory_space<hbm>> -> memref<13824xf32, #tpu.memory_space<hbm>>
          tpu.enqueue_dma source(%arg6 : memref<13824xf32, #tpu.memory_space<vmem>>) target(%dma_start3A_228 : memref<13824xf32, #tpu.memory_space<hbm>>) target_semaphore(%run_scoped3A : memref<!tpu.dma_semaphore, #tpu.memory_space<semaphore_mem>>)
          %dma_wait3A = tpu.memref_slice %arg4[%mul3A_219] : memref<28311552xf32, #tpu.memory_space<hbm>> -> memref<13824xf32, #tpu.memory_space<hbm>>
          %dma_wait3A_229 = tpu.memref_slice %arg4[%mul3A_219] : memref<28311552xf32, #tpu.memory_space<hbm>> -> memref<13824xf32, #tpu.memory_space<hbm>>
          tpu.wait_dma2 semaphore(%run_scoped3A : memref<!tpu.dma_semaphore, #tpu.memory_space<semaphore_mem>>) src(%arg6 : memref<13824xf32, #tpu.memory_space<vmem>>) dst(%dma_wait3A_229 : memref<13824xf32, #tpu.memory_space<hbm>>)
          tpu.yield
        }) : () -> ()
        %scan3A_227 = arith.constant 0 : i32
        scf.yield %scan3A_227 : i32
      }
      %scan3A_210 = arith.constant 32 : i32
      scf.yield %scan3A_209 : i32
    }
    %scan3A_9 = arith.constant 2 : i32
    return
  }
}

</mosaic_0001>

<sc_bundles>
// kernel: kernel.3.cloned.1.call-start
scs
__scs_entry_jumppad:
0x0: {  	(pc) =	sbr.rel $0x88, $3  }
0x1: {  	(tag) =	ssettag $0x0;
	lr =	simm.s32 $0x1  }
0x2: {  	[smem:$0x3F9D] =	sst lr;
	_ =	strace $0xD0000000  }
0x3: {  	_ = 	snop  }
0x4: {  	_ = 	snop  }
0x5: {  	_ = 	snop  }
0x6: {  	_ = 	snop  }
0x7: {  	_ = 	snop  }
__scs_overlays_trampoline_lowered:
0x8: {  	[smem:$0x3FAC] =	sst s0  }
0x9: {  	[smem:$0x3FAD] =	sst s1  }
0xa: {  	[smem:$0x3FAE] =	sst s2  }
0xb: {  	[smem:$0x3FAF] =	sst s3  }
0xc: {  	[smem:$0x3FB0] =	sst s4  }
0xd: {  	[smem:$0x3FB1] =	sst s5  }
0xe: {  	[smem:$0x3FB2] =	sst s6  }
0xf: {  	[smem:$0x3FB3] =	sst s7  }
0x10: {  	[smem:$0x3FB4] =	sst s8  }
0x11: {  	[smem:$0x3FB5] =	sst s9;
	s0 =	simm.s32 @!p0 $0x0  }
0x12: {  	s1 =	sld [smem:$0x3F9B];
	s0 =	simm.s32 @p0 $0x1  }
0x13: {  	[smem:$0x3FB6] =	sst s0;
	s0 =	simm.s32 @!p1 $0x0  }
0x14: {  	s2 =	sld [smem:$0x3F9A];
	s0 =	simm.s32 @p1 $0x1  }
0x15: {  	[smem:$0x3FB7] =	sst s0;
	s0 =	simm.s32 @!p2 $0x0  }
0x16: {  	s3 =	sld [smem:$0x3FDB];
	s0 =	simm.s32 @p2 $0x1  }
0x17: {  	s4 =	simm.s32 $0x1BF5;
	[smem:$0x3FB9] =	sst s0  }
0x18: {  	s0 =	sld [smem:$0x3F9C];
	_ =	swait.ge [sflag:s4], $0x0  }
0x19: {  	s7 =	sld [smem:$0x3F9D]  }
0x1a: {  	s8 =	sadd.s32 $0xFFFFE003, lr  }
0x1b: {  	s9 =	sadd.s32 $0xFFFFFEF7, lr;
	s5 =	simm.s32 $0xFFFFFFFF;
	p2 =	slt.u32 s8, $0xFFFFF086  }
0x1c: {  	p1 =	slt.u32 s9, $0xF7A;
	s5 =	simm.s32 @!p2 $0x0  }
0x1d: {  	s5 =	simm.s32 @p1 $0x1;
	p0 =	seq.s32 s7, s2  }
0x1e: {  	s7 =	smul.u32 @!p0 $0xF7A, s2;
	p2 =	seq.s32 @!p0 s5, $0x0  }
0x1f: {  	s9 =	smul.u32 $0xF7A, s1;
	s8 =	simm.s32 @!p0 $0x1BF5;
	p2 =	por !p2, p0  }
0x20: {  	[sflag:s8] =	ssyncset.s32 @!p0 $0xFFFFF086;
	s6 =	sadd.s32 @!p0 s3, s7;
	s7 =	simm.s32 @!p0 $0x108  }
0x21: {  	s3 =	sadd.s32 s3, s9;
	s6 =	sadd.s32 @!p0 $0x88, s6;
	s7 =	simm.s32 @p2 $0x1082  }
0x22: {  	[simem:s7], [sflag:s8] =	dma.local @!p0 [hbm:s6], $0xF7A  }
0x23: {  	s9 =	sor.u32 $0xD0000000, s2;
	s6 =	simm.s32 $0x108;
	_ =	swait.ge @!p0 [sflag:s8], $0x0  }
0x24: {  	s3 =	sadd.s32 $0x88, s3;
	s6 =	simm.s32 @!p1 $0x1082;
	[sflag:s4] =	ssyncset.s32 $0xFFFFF086  }
0x25: {  	[simem:s6], [sflag:s4] =	dma.local [hbm:s3], $0xF7A  }
0x26: {  	[smem:$0x3F9D] =	sst s1;
	(tag) =	ssettag s2;
	_ =	strace s9  }
0x27: {  	s1 =	sld [smem:$0x3FAD]  }
0x28: {  	s2 =	sld [smem:$0x3FAE]  }
0x29: {  	s4 =	sld [smem:$0x3FB0]  }
0x2a: {  	p0 =	seq.s32 s5, $0x0;
	s5 =	sld [smem:$0x3FB1]  }
0x2b: {  	s6 =	sld [smem:$0x3FB2]  }
0x2c: {  	s7 =	sld [smem:$0x3FB3]  }
0x2d: {  	s3 =	simm.s32 $0x108;
	s8 =	sld [smem:$0x3FB4]  }
0x2e: {  	s3 =	simm.s32 @!p0 $0x1082;
	s9 =	sld [smem:$0x3FB5]  }
0x2f: {  	lr =	sadd.s32 s0, s3;
	s0 =	sld [smem:$0x3FAC]  }
0x30: {  	s3 =	sld [smem:$0x3FAF]  }
0x31: {  	[smem:$0x3FB8] =	sst s10  }
0x32: {  	s10 =	sld [smem:$0x3FB6];
	_ =	sdelay $0x3  }
0x33: {  	p0 =	seq.s32 s10, $0x1;
	s10 =	sld [smem:$0x3FB8];
	_ =	sdelay $0x3  }
0x34: {  	[smem:$0x3FB8] =	sst s10  }
0x35: {  	s10 =	sld [smem:$0x3FB7];
	_ =	sdelay $0x3  }
0x36: {  	p1 =	seq.s32 s10, $0x1;
	s10 =	sld [smem:$0x3FB8];
	_ =	sdelay $0x3  }
0x37: {  	[smem:$0x3FB8] =	sst s10  }
0x38: {  	s10 =	sld [smem:$0x3FB9]  }
0x39: {  	_ = 	snop;
	(pc) =	sbr.ind lr, $3  }
0x3a: {  	_ = 	snop  }
0x3b: {  	_ = 	snop  }
0x3c: {  	p2 =	seq.s32 s10, $0x1;
	s10 =	sld [smem:$0x3FB8]  }
0x3d: {  	_ =	shalt  }
0x3e: {  	_ =	shalt  }
0x3f: {  	_ =	shalt  }
0x40: {  	_ =	shalt  }
0x41: {  	_ =	shalt  }
0x42: {  	_ =	shalt  }
0x43: {  	_ =	shalt  }
0x44: {  	_ =	shalt  }
0x45: {  	_ =	shalt  }
0x46: {  	_ =	shalt  }
0x47: {  	_ =	shalt  }
0x48: {  	_ =	shalt  }
0x49: {  	_ =	shalt  }
0x4a: {  	_ =	shalt  }
0x4b: {  	_ =	shalt  }
0x4c: {  	_ =	shalt  }
0x4d: {  	_ =	shalt  }
0x4e: {  	_ =	shalt  }
0x4f: {  	_ =	shalt  }
0x50: {  	_ =	shalt  }
0x51: {  	_ =	shalt  }
0x52: {  	_ =	shalt  }
0x53: {  	_ =	shalt  }
0x54: {  	_ =	shalt  }
0x55: {  	_ =	shalt  }
0x56: {  	_ =	shalt  }
0x57: {  	_ =	shalt  }
0x58: {  	_ =	shalt  }
0x59: {  	_ =	shalt  }
0x5a: {  	_ =	shalt  }
0x5b: {  	_ =	shalt  }
0x5c: {  	_ =	shalt  }
0x5d: {  	_ =	shalt  }
0x5e: {  	_ =	shalt  }
0x5f: {  	_ =	shalt  }
0x60: {  	_ =	shalt  }
0x61: {  	_ =	shalt  }
0x62: {  	_ =	shalt  }
0x63: {  	_ =	shalt  }
0x64: {  	_ =	shalt  }
0x65: {  	_ =	shalt  }
0x66: {  	_ =	shalt  }
0x67: {  	_ =	shalt  }
0x68: {  	_ =	shalt  }
0x69: {  	_ =	shalt  }
0x6a: {  	_ =	shalt  }
0x6b: {  	_ =	shalt  }
0x6c: {  	_ =	shalt  }
0x6d: {  	_ =	shalt  }
0x6e: {  	_ =	shalt  }
0x6f: {  	_ =	shalt  }
0x70: {  	_ =	shalt  }
0x71: {  	_ =	shalt  }
0x72: {  	_ =	shalt  }
0x73: {  	_ =	shalt  }
0x74: {  	_ =	shalt  }
0x75: {  	_ =	shalt  }
0x76: {  	_ =	shalt  }
0x77: {  	_ =	shalt  }
0x78: {  	_ =	shalt  }
0x79: {  	_ =	shalt  }
0x7a: {  	_ =	shalt  }
0x7b: {  	_ =	shalt  }
0x7c: {  	_ =	shalt  }
0x7d: {  	_ =	shalt  }
0x7e: {  	_ =	shalt  }
0x7f: {  	_ =	shalt  }
0x80: {  	_ =	shalt  }
0x81: {  	_ =	shalt  }
0x82: {  	_ =	shalt  }
0x83: {  	_ =	shalt  }
0x84: {  	_ =	shalt  }
0x85: {  	_ =	shalt  }
0x86: {  	_ =	shalt  }
0x87: {  	_ =	shalt  }
.Lfunc_end0:
.L_simem_size_0:
called_computation.1_lowered:
.L_overlay_start_0:
0x88: {  	s2 =	sld [smem:$0x3FD9]  }
0x89: {  	s3 =	sld [smem:$0x3FFE];
	_ =	sdelay $0x1  }
0x8a: {  	s1 =	srdreg.scid  }
0x8b: {  	s0 =	sand.u32 $0x1, s1  }
0x8c: {  	s17 =	sshll.u32 s0, $0xA;
	s2 =	sadd.s32 s3, s2  }
0x8d: {  	s2 =	sadd.s32 s2, s17  }
0x8e: {  	[smem:$0x3FC4] =	sst s2  }
0x8f: {  	_ = 	snop  }
0x90: {  	s2 =	sld [smem:$0x3FD0];
	(tm) =	ssettm $0x1  }
0x91: {  	s18 =	sld [smem:$0x3FFB];
	_ =	sdelay $0x3  }
0x92: {  	_ =	strace s18  }
0x93: {  	s3 =	sld [smem:$0x3FFC];
	_ =	sdelay $0x3  }
0x94: {  	_ =	strace s3  }
0x95: {  	s3 =	sld [smem:$0x3FFD];
	_ =	sdelay $0x3  }
0x96: {  	_ =	strace s3  }
0x97: {  	_ =	strace $0x8FFFFFFF  }
0x98: {  	s19 =	sld [smem:$0x3FDB];
	_ =	sdelay $0x1  }
0x99: {  	s4 =	simm.s32 $_scs_section_size  }
0x9a: {  	s5 =	simm.s32 $_size__tile_overlayer_lowered;
	s6 =	simm.s32 $_tile_overlayer_lowered  }
0x9b: {  	s22 =	simm.s32 $0x1BFF;
	s21 =	sshll.u32 s6, $0x1;
	s3 =	sadd.s32 s4, s19  }
0x9c: {  	s7 =	simm.s32 $0x0;
	s20 =	sshll.u32 s5, $0x1;
	s5 =	sadd.s32 s21, s3  }
0x9d: {  	[timem:s7], [sflag:s22] =	dma.local [hbm:s5], s20  }
0x9e: {  	_ =	swait.ge [sflag:s22], s20  }
0x9f: {  	s4 =	ssub.s32 $0x0, s20;
	[sflag:s22] =	ssyncset.done $0x0  }
0xa0: {  	[sflag:s22] =	ssyncadd.s32 s4;
	_ =	sdelay $0x1  }
0xa1: {  	s23 =	simm.s32 $0x1B8B  }
0xa2: {  	_ =	swait.ge [sflag:s23], $0x1  }
0xa3: {  	[sflag:s23] =	ssyncset.done $0x0  }
0xa4: {  	s25 =	simm.s32 $0x1B8E;
	s24 =	sld [smem:$0x3FFE];
	[sflag:s23] =	ssyncadd.s32 $0xFFFFFFFF  }
0xa5: {  	s26 =	simm.s32 $execute0_lowered;
	[smem:$0x3FD2] =	sst s25  }
0xa6: {  	s5 =	sshll.u32 s26, $0x1;
	_ =	strace $0x80000046;
	[dreg:$0x1] =	wrdreg $0xFFFFFFFF  }
0xa7: {  	s28 =	simm.s32 $_size_execute0_lowered;
	s3 =	sadd.s32 s3, s5;
	[dreg:$0x0] =	wrdreg $0x0  }
0xa8: {  	s5 =	sshll.u32 s28, $0x1;
	[dreg:$0x2] =	wrdreg s3  }
0xa9: {  	[dreg:$0x3] =	wrdreg s5  }
0xaa: {  	[dreg:$0x4] =	wrdreg $0xC0  }
0xab: {  	_ =	task [dreg:s7], $0x5FFFF  }
0xac: {  	[dreg:$0x1] =	wrdreg $0xFFFFFFFF  }
0xad: {  	[dreg:$0x0] =	wrdreg $0x60  }
0xae: {  	[dreg:$0x2] =	wrdreg s2  }
0xaf: {  	[dreg:$0x3] =	wrdreg s24  }
0xb0: {  	[dreg:$0x4] =	wrdreg $0x9  }
0xb1: {  	_ =	task.clear_ibuf [dreg:s7], $0x5FFFF;
	_ =	strace $0x90000046  }
0xb2: {  	s29 =	simm.s32 $0x9;
	_ =	strace $0x80000048  }
0xb3: {  	_ =	swait.ge [sflag:s29], $0x1  }
0xb4: {  	[sflag:s29] =	ssyncadd.s32 $0xFFFFFFFF  }
0xb5: {  	_ =	strace $0x90000048  }
0xb6: {  	_ =	sfence  }
0xb7: {  	s30 =	sld [smem:$0x0];
	_ =	sdelay $0x2  }
0xb8: {  	s31 =	sshll.u32 s1, $0xD;
	s1 =	sshrl.u32 s1, $0x2  }
0xb9: {  	s3 =	sand.u32 $0x4000, s31;
	s1 =	sadd.s32 s1, s30  }
0xba: {  	s0 =	sor.u32 s3, s0;
	s1 =	sshll.u32 s1, $0x11  }
0xbb: {  	s0 =	sor.u32 s1, s0  }
0xbc: {  	s0 =	sadd.s32 $0x8F2B, s0  }
0xbd: {  	[sflag:s0] =	ssyncadd.remote.s32 $0x1  }
0xbe: {  	_ =	sfence.sel $0xFFFF  }
0xbf: {  	[dreg:$0x0] =	wrdreg $0xFFFFFFFF;
	(pc) =	sbr.abs _section_cstart, $3  }
0xc0: {  	[dreg:$0x1] =	wrdreg $0xFFFFFFFF  }
0xc1: {  	_ =	task.clear_ibuf [dreg:s7], $0x2FFFF;
	_ =	strace $0x9FFFFFFF  }
0xc2: {  	(tm) =	ssettm $0x7FFFFFFF  }
0xc3: {  	_ =	shalt  }
tec
execute0_lowered:
.L_overlay_start_1:
0x0: {  	(tag) =	ssettag $0x1  }
0x1: {  	v1 =	vimm.f32 $1.500000000e+01;
	vm0 =	vcmask $0x300  }
0x2: {  	v0 =	vimm.s32 $0x0;
	vm14 =	vcmask $0x704;
	v2 =	vsel vm0, $0x0, v1  }
0x3: {  	vm15 =	vcmask $0xB08;
	vm4 =	vcmask $0xF0C;
	v3 =	vsel vm14, $0x3F800000, v2  }
0x4: {  	vm5 =	vcmask $0x1310;
	vm6 =	vcmask $0x1714;
	v4 =	vsel vm15, $0x40000000, v3  }
0x5: {  	vm7 =	vcmask $0x1B18;
	vm8 =	vcmask $0x1F1C;
	v5 =	vsel vm4, $0x40400000, v4  }
0x6: {  	vm9 =	vcmask $0x2320;
	vm10 =	vcmask $0x2724;
	v6 =	vsel vm5, $0x40800000, v5  }
0x7: {  	s0 =	rddreg [dreg:$0x0];
	vm11 =	vcmask $0x2B28;
	vm12 =	vcmask $0x2F2C;
	v7 =	vsel vm6, $0x40A00000, v6  }
0x8: {  	s4 =	rddreg [dreg:$0x1];
	vm13 =	vcmask $0x3330;
	v12 =	vlaneseq.u32;
	v8 =	vsel vm7, $0x40C00000, v7  }
0x9: {  	s1 =	rddreg [dreg:$0x2];
	s2 =	stileid.u32;
	v1 =	vimm.s32 $0x1;
	v2 =	vimm.s32 $0x2;
	v9 =	vsel vm8, $0x40E00000, v8  }
0xa: {  	s3 =	simm.s32 $0x0;
	s6 =	srdreg.scid;
	s10 =	simm.s32 $0x3600;
	vm14 =	vcmask $0x3734;
	v3 =	vimm.s32 $0x3;
	v10 =	vsel vm9, $0x41000000, v9  }
0xb: {  	s11 =	simm.s32 $0x0;
	s5 =	sshll.u32 s2, $0x6;
	[smem:$0x7FF] =	sst s3;
	vm15 =	vcmask $0x3B38;
	v4 =	vimm.s32 $0x4;
	v11 =	vsel vm10, $0x41100000, v10  }
0xc: {  	s6 =	sand.u32 $0x1, s6;
	s9 =	sshll.u32 s2, $0x2;
	s5 =	sand.u32 $0x380, s5;
	v5 =	vimm.s32 $0x5;
	v6 =	vimm.s32 $0x6;
	v11 =	vsel vm11, $0x41200000, v11  }
0xd: {  	_ =	strace $0x80000047;
	s31 =	ssub.s32 $0x2, s6;
	s6 =	sshll.u32 s6, $0x1;
	v7 =	vimm.s32 $0x7;
	v8 =	vimm.s32 $0x8;
	v11 =	vsel vm12, $0x41300000, v11  }
0xe: {  	s7 =	sadd.s32 s5, s4;
	s8 =	sshrl.u32 s31, $0x1;
	s4 =	sadd.s32 $0x1800, s4;
	v9 =	vimm.s32 $0x9;
	v13 =	vsel vm13, $0x41400000, v11;
	v11 =	vmul.u32 $0x3, v12  }
0xf: {  	s5 =	sor.u32 s6, s9;
	s9 =	simm.s32 $0x1;
	s8 =	ssub.s32 s31, s8;
	v10 =	vimm.s32 $0xA;
	v12 =	vimm.s32 $0xB;
	v13 =	vsel vm14, $0x41500000, v13  }
0x10: {  	s6 =	sadd.s32 $0x1400, s7;
	s7 =	smax.u32 s8, $0x1;
	s8 =	simm.s32 $0x6C00;
	v13 =	vsel vm15, $0x41600000, v13;
	v14 =	vadd.s32 $0x2, v11;
	v15 =	vadd.s32 $0x1, v11  }
.LBB2_1:
0x11: {  	p1 =	por $0x1, $0x1;
	s12 =	simm.s32 $0x0  }
.LBB2_2:
0x12: {  	s13 =	sor.u32 s5, s12  }
0x13: {  	s12 =	sshll.u32 s13, $0x4  }
0x14: {  	s12 =	sand.u32 $0x70, s12  }
0x15: {  	s14 =	sadd.s32 s12, s6;
	s12 =	simm.s32 $0x0  }
0x16: {  	[tilespmem:s8], [sflag:$0x1] =	stream.linear.gather [hbm4b:s14+s12], $0x80, $0x38;
	[tilespmem:$0x6C80] =	vst v63  }
0x17: {  	_ =	swait.ge [sflag:s9], $0x80  }
0x18: {  	[sflag:s9] =	ssyncset.done $0x0  }
0x19: {  	[sflag:s9] =	ssyncadd.s32 $0xFFFFFF80  }
0x1a: {  	v27 =	vld [tilespmem:$0x6C00];
	_ =	sdelay $0x4  }
0x1b: {  	v16 =	vperm.xlane v27, v0;
	v17 =	vperm.xlane v27, v1  }
0x1c: {  	v18 =	vperm.xlane v27, v2;
	v19 =	vperm.xlane v27, v3  }
0x1d: {  	v20 =	vperm.xlane v27, v4;
	v21 =	vperm.xlane v27, v5  }
0x1e: {  	v22 =	vperm.xlane v27, v6;
	v23 =	vperm.xlane v27, v7  }
0x1f: {  	v24 =	vperm.xlane v27, v8;
	v25 =	vperm.xlane v27, v9  }
0x20: {  	p0 =	por p1, p1;
	s13 =	smul.u32 $0x24000, s13;
	s14 =	simm.s32 $0x0;
	v26 =	vperm.xlane v27, v10;
	v27 =	vperm.xlane v27, v12  }
.LBB2_3:
0x21: {  	s15 =	smul.u32 $0x1200, s14;
	_ =	sdelay $0x1  }
0x22: {  	s15 =	sadd.s32 s13, s15  }
0x23: {  	s15 =	smul.u32 $0x3, s15;
	_ =	sdelay $0x1  }
0x24: {  	s15 =	sshrl.u32 s15, $0x3  }
0x25: {  	s16 =	sadd.s32 s0, s15  }
0x26: {  	[tilespmem:s12], [sflag:$0x1] =	stream.linear.gather [hbm4b:s16+s12], $0x3600, $0x38;
	[tilespmem:$0x6C80] =	vst v63  }
0x27: {  	_ =	swait.ge [sflag:s9], $0x3600  }
0x28: {  	s17 =	simm.s32 $0x0;
	[sflag:s9] =	ssyncset.done $0x0  }
0x29: {  	s18 =	simm.s32 $0x0;
	s16 =	smul.u32 $0xC, s14;
	[sflag:s9] =	ssyncadd.s32 $0xFFFFCA00  }
.LBB2_4:
0x2a: {  	s19 =	simm.s32 $0x0  }
0x2b: {  	v28 =	vadd.s32 s17, v14;
	s19 =	scvt.s32.f32 s19;
	s20 =	sadd.s32 s16, s18  }
0x2c: {  	s20 =	scvt.s32.f32 s20  }
0x2d: {  	s19 =	smul.f32 $1.600000000e+01, s19  }
0x2e: {  	v29 =	vmul.f32 s20, v19  }
0x2f: {  	v30 =	vmul.f32 s20, v20;
	v32 =	vadd.f32 s19, v13  }
0x30: {  	v33 =	vmul.f32 s20, v21;
	v34 =	vld.idx.msk [tilespmem:v28+s3+$0x0], $0xffff;
	v31 =	vadd.f32 v29, v22  }
0x31: {  	v30 =	vadd.f32 v30, v23;
	v35 =	vmul.f32 v32, v16;
	v62 =	vmul.f32 v32, v17  }
0x32: {  	v29 =	vadd.f32 v33, v24;
	v32 =	vmul.f32 v32, v18  }
0x33: {  	v35 =	vadd.f32 v35, v31;
	v33 =	vadd.f32 v62, v30  }
0x34: {  	v36 =	vadd.s32 s17, v11;
	v32 =	vadd.f32 v32, v29  }
0x35: {  	v35 =	vmul.f32 v34, v35;
	v37 =	vmul.f32 v34, v33;
	v33 =	vadd.s32 s17, v15;
	_ =	sdelay $0x1  }
0x36: {  	s31 =	simm.s32 $0x1;
	v63 =	vmul.f32 v34, v32;
	v38 =	vadd.f32 v35, v25  }
0x37: {  	s21 =	scvt.s32.f32 s31;
	s19 =	sadd.s32 $0x30, s17;
	v34 =	vadd.f32 v37, v26  }
0x38: {  	s20 =	simm.s32 $0x2;
	v32 =	vadd.s32 s19, v14;
	v35 =	vadd.f32 v63, v27;
	[tilespmem:v36+s10+$0x0] =	vst.idx.msk $0xffff, v38  }
.LBB2_5:
0x39: {  	p1 =	sne.s32 s20, $0x17;
	s21 =	smul.f32 $1.600000000e+01, s21;
	[tilespmem:v33+s10+$0x0] =	vst.idx.msk $0xffff, v34  }
0x3a: {  	[tilespmem:v28+s10+$0x0] =	vst.idx.msk $0xffff, v35;
	v28 =	vmov v32  }
0x3b: {  	v33 =	vadd.f32 s21, v13;
	v34 =	vld.idx.msk [tilespmem:v32+s3+$0x0], $0xffff;
	_ =	sdelay $0x1  }
0x3c: {  	v32 =	vmul.f32 v33, v16  }
0x3d: {  	v35 =	vmul.f32 v33, v17  }
0x3e: {  	v33 =	vmul.f32 v33, v18;
	v32 =	vadd.f32 v32, v31  }
0x3f: {  	v36 =	vadd.s32 s19, v11;
	v35 =	vadd.f32 v35, v30  }
.Ltmp0:
0x40: {  	v38 =	vadd.f32 v33, v29;
	v33 =	vadd.s32 s19, v15;
	v37 =	vmul.f32 v34, v32;
	(pc) =	sbr.rel @p1 .LBB2_5-.Ltmp0, $4  }
0x41: {  	s19 =	sadd.s32 $0x30, s19;
	v35 =	vmul.f32 v34, v35  }
0x42: {  	v32 =	vadd.s32 s19, v14;
	v38 =	vmul.f32 v34, v38;
	v37 =	vadd.f32 v37, v25  }
0x43: {  	s21 =	scvt.s32.f32 s20;
	v34 =	vadd.f32 v35, v26  }
0x44: {  	s20 =	sadd.s32 $0x1, s20;
	v35 =	vadd.f32 v38, v27;
	[tilespmem:v36+s10+$0x0] =	vst.idx.msk $0xffff, v37  }
0x45: {  	_ =	sdelay $0x2  }
0x46: {  	s20 =	smul.f32 $1.600000000e+01, s21  }
0x47: {  	[tilespmem:v33+s10+$0x0] =	vst.idx.msk $0xffff, v34  }
0x48: {  	[tilespmem:v28+s10+$0x0] =	vst.idx.msk $0xffff, v35;
	v28 =	vadd.f32 s20, v13  }
0x49: {  	v33 =	vld.idx.msk [tilespmem:v32+s3+$0x0], $0xffff  }
0x4a: {  	v61 =	vmul.f32 v28, v16  }
0x4b: {  	v62 =	vmul.f32 v28, v17  }
0x4c: {  	v28 =	vmul.f32 v28, v18;
	v31 =	vadd.f32 v61, v31  }
0x4d: {  	v63 =	vadd.s32 s19, v11;
	v30 =	vadd.f32 v62, v30  }
0x4e: {  	s18 =	sadd.s32 $0x1, s18;
	v28 =	vadd.f32 v28, v29;
	v29 =	vadd.s32 s19, v15;
	v31 =	vmul.f32 v33, v31  }
0x4f: {  	p1 =	sne.s32 s18, $0xC;
	v30 =	vmul.f32 v33, v30  }
.Ltmp1:
0x50: {  	v28 =	vmul.f32 v33, v28;
	v31 =	vadd.f32 v31, v25;
	(pc) =	sbr.rel @p1 .LBB2_4-.Ltmp1, $4  }
0x51: {  	v30 =	vadd.f32 v30, v26  }
0x52: {  	v28 =	vadd.f32 v28, v27;
	[tilespmem:v63+s10+$0x0] =	vst.idx.msk $0xffff, v31  }
0x53: {  	[tilespmem:v29+s10+$0x0] =	vst.idx.msk $0xffff, v30  }
0x54: {  	s17 =	sadd.s32 $0x480, s17;
	[tilespmem:v32+s10+$0x0] =	vst.idx.msk $0xffff, v28  }
0x55: {  	s14 =	sadd.s32 $0x1, s14  }
0x56: {  	p1 =	sne.s32 s14, $0x20  }
.Ltmp2:
0x57: {  	s15 =	sadd.s32 s4, s15;
	(pc) =	sbr.rel @p1 .LBB2_3-.Ltmp2, $4  }
0x58: {  	[hbm4b:s15+s3] =	stream.linear.scatter [tilespmem:s10], [sflag:$0x1], $0x3600, $0x38;
	[tilespmem:$0x6C80] =	vst v63  }
0x59: {  	_ =	swait.ge [sflag:s9], $0x3600  }
0x5a: {  	[sflag:s9] =	ssyncset.done $0x0  }
0x5b: {  	[sflag:s9] =	ssyncadd.s32 $0xFFFFCA00  }
.Ltmp3:
0x5c: {  	(pc) =	sbr.rel @p0 .LBB2_2-.Ltmp3, $2  }
0x5d: {  	_ =	sdelay $0x2  }
0x5e: {  	s12 =	simm.s32 $0x1;
	p1 =	por $0x0, $0x0  }
0x5f: {  	s11 =	sadd.s32 $0x1, s11  }
0x60: {  	p0 =	sne.s32 s11, s7  }
.Ltmp4:
0x61: {  	_ = 	snop;
	(pc) =	sbr.rel @p0 .LBB2_1-.Ltmp4, $1  }
0x62: {  	_ =	sdelay $0x3  }
0x63: {  	_ =	sfence.sel $0x180000  }
0x64: {  	[bflag:$0x0] =	sbarrier.arrive $0xFFFF  }
0x65: {  	p0 =	sne.s32 s2, $0x0;
	_ =	strace $0x90000047  }
0x66: {  	s0 =	sadd.s32 @!p0 $0x100000, s1;
	[bflag:$0x2] =	sbarrier.arrive $0xFFFF  }
0x67: {  	[sflag:s0] =	ssyncadd.tile.s32 @!p0 $0x1;
	_ =	shalt  }
.Lfunc_end2:
_tile_overlayer_lowered:
.L_overlay_start_2:
0x68: {  	(tag) =	ssettag $0x2  }
0x69: {  	s0 =	rddreg [dreg:$0x0];
	s2 =	stileid.u32  }
0x6a: {  	s1 =	rddreg [dreg:$0x1];
	p0 =	sne.s32 s2, $0x0  }
0x6b: {  	s3 =	rddreg [dreg:$0x2];
	[bflag:$0x3] =	sbarrier.arrive $0xFFFF;
	s2 =	simm.s32 @!p0 $0x1C01  }
0x6c: {  	[timem:s3], [sflag:s2] =	dma.local @!p0 [hbm:s0], s1  }
0x6d: {  	s0 =	simm.s32 @!p0 $0x1  }
0x6e: {  	_ =	swait.ge @!p0 [sflag:s0], s1  }
0x6f: {  	s1 =	ssub.s32 @!p0 $0x0, s1;
	[sflag:s0] =	ssyncset.done @!p0 $0x0  }
0x70: {  	[sflag:s0] =	ssyncadd.s32 @!p0 s1  }
0x71: {  	[bflag:$0x3] =	sbarrier.arrive $0xFFFF  }
0x72: {  	_ =	shalt  }

// kernel: sparse-core-data-format-call.cloned.1.call-start
scs
called_computation_lowered:
.L_overlay_start_0:
0x0: {  	s2 =	sld [smem:$0x3FD9]  }
0x1: {  	s3 =	sld [smem:$0x3FFE];
	_ =	sdelay $0x1  }
0x2: {  	s1 =	srdreg.scid  }
0x3: {  	s0 =	sand.u32 $0x1, s1  }
0x4: {  	s18 =	sshll.u32 s0, $0xA;
	s2 =	sadd.s32 s3, s2  }
0x5: {  	s2 =	sadd.s32 s2, s18  }
0x6: {  	[smem:$0x3FC4] =	sst s2  }
0x7: {  	_ = 	snop  }
0x8: {  	s2 =	sld [smem:$0x3FD0];
	(tm) =	ssettm $0x1  }
0x9: {  	s19 =	sld [smem:$0x3FFB];
	_ =	sdelay $0x3  }
0xa: {  	_ =	strace s19  }
0xb: {  	s3 =	sld [smem:$0x3FFC];
	_ =	sdelay $0x3  }
0xc: {  	_ =	strace s3  }
0xd: {  	s3 =	sld [smem:$0x3FFD];
	_ =	sdelay $0x3  }
0xe: {  	_ =	strace s3  }
0xf: {  	_ =	strace $0x8FFFFFFF  }
0x10: {  	s20 =	sld [smem:$0x3FDB];
	_ =	sdelay $0x1  }
0x11: {  	s4 =	simm.s32 $_scs_section_size  }
0x12: {  	s5 =	simm.s32 $_size__tile_overlayer_lowered;
	s6 =	simm.s32 $_tile_overlayer_lowered  }
0x13: {  	s23 =	simm.s32 $0x1BFF;
	s22 =	sshll.u32 s6, $0x1;
	s3 =	sadd.s32 s4, s20  }
0x14: {  	s7 =	simm.s32 $0x0;
	s21 =	sshll.u32 s5, $0x1;
	s5 =	sadd.s32 s22, s3  }
0x15: {  	[timem:s7], [sflag:s23] =	dma.local [hbm:s5], s21  }
0x16: {  	_ =	swait.ge [sflag:s23], s21  }
0x17: {  	s4 =	ssub.s32 $0x0, s21;
	[sflag:s23] =	ssyncset.done $0x0  }
0x18: {  	[sflag:s23] =	ssyncadd.s32 s4;
	_ =	sdelay $0x1  }
0x19: {  	s24 =	simm.s32 $0x1B8B  }
0x1a: {  	_ =	swait.ge [sflag:s24], $0x1  }
0x1b: {  	[sflag:s24] =	ssyncset.done $0x0  }
0x1c: {  	s26 =	simm.s32 $0x1B8E;
	s25 =	sld [smem:$0x3FFE];
	[sflag:s24] =	ssyncadd.s32 $0xFFFFFFFF  }
0x1d: {  	s27 =	simm.s32 $execute0_lowered;
	[smem:$0x3FD2] =	sst s26  }
0x1e: {  	s5 =	sshll.u32 s27, $0x1;
	_ =	strace $0x80000049;
	[dreg:$0x1] =	wrdreg $0xFFFFFFFF  }
0x1f: {  	s28 =	simm.s32 $_size_execute0_lowered;
	s3 =	sadd.s32 s3, s5;
	[dreg:$0x0] =	wrdreg $0x0  }
0x20: {  	s5 =	sshll.u32 s28, $0x1;
	[dreg:$0x2] =	wrdreg s3  }
0x21: {  	[dreg:$0x3] =	wrdreg s5  }
0x22: {  	[dreg:$0x4] =	wrdreg $0xC0  }
0x23: {  	_ =	task [dreg:s7], $0x5FFFF  }
0x24: {  	[dreg:$0x1] =	wrdreg $0xFFFFFFFF  }
0x25: {  	[dreg:$0x0] =	wrdreg $0x60  }
0x26: {  	[dreg:$0x2] =	wrdreg s25  }
0x27: {  	[dreg:$0x3] =	wrdreg s2  }
0x28: {  	[dreg:$0x4] =	wrdreg $0x9  }
0x29: {  	_ =	task.clear_ibuf [dreg:s7], $0x5FFFF;
	_ =	strace $0x90000049  }
0x2a: {  	s29 =	simm.s32 $0x9;
	_ =	strace $0x8000004B  }
0x2b: {  	_ =	swait.ge [sflag:s29], $0x1  }
0x2c: {  	[sflag:s29] =	ssyncadd.s32 $0xFFFFFFFF  }
0x2d: {  	_ =	strace $0x9000004B  }
0x2e: {  	_ =	sfence  }
0x2f: {  	s30 =	sld [smem:$0x0];
	_ =	sdelay $0x2  }
0x30: {  	s31 =	sshll.u32 s1, $0xD;
	s1 =	sshrl.u32 s1, $0x2  }
0x31: {  	s3 =	sand.u32 $0x4000, s31;
	s1 =	sadd.s32 s1, s30  }
0x32: {  	s0 =	sor.u32 s3, s0;
	s1 =	sshll.u32 s1, $0x11  }
0x33: {  	s0 =	sor.u32 s1, s0  }
0x34: {  	s0 =	sadd.s32 $0x8F2B, s0  }
0x35: {  	[sflag:s0] =	ssyncadd.remote.s32 $0x1  }
0x36: {  	_ =	sfence.sel $0xFFFF  }
0x37: {  	[dreg:$0x0] =	wrdreg $0xFFFFFFFF;
	(pc) =	sbr.abs _section_cstart, $3  }
0x38: {  	[dreg:$0x1] =	wrdreg $0xFFFFFFFF  }
0x39: {  	_ =	task.clear_ibuf [dreg:s7], $0x2FFFF;
	_ =	strace $0x9FFFFFFF  }
0x3a: {  	(tm) =	ssettm $0x7FFFFFFF  }
0x3b: {  	_ =	shalt  }
tec
execute0_lowered:
.L_overlay_start_1:
0x0: {  	(tag) =	ssettag $0x1  }
0x1: {  	s10 =	rddreg [dreg:$0x0]  }
0x2: {  	s2 =	rddreg [dreg:$0x1]  }
0x3: {  	s0 =	rddreg [dreg:$0x2]  }
0x4: {  	s1 =	stileid.u32;
	s4 =	srdreg.scid  }
0x5: {  	_ =	strace $0x8000004A;
	s9 =	simm.s32 $0x1;
	s31 =	simm.s32 $0x2  }
0x6: {  	s18 =	simm.s32 $0x0;
	s12 =	simm.s32 $0x900000;
	s19 =	simm.s32 $0x0  }
0x7: {  	s13 =	simm.s32 $0x0;
	s14 =	simm.s32 $0x0;
	s17 =	simm.s32 $0x0  }
0x8: {  	s3 =	sshll.u32 s1, $0x2;
	s5 =	sshll.u32 s4, $0x7;
	s4 =	sadd.s32 $0x361800, s10  }
0x9: {  	s5 =	sand.u32 $0x80, s5;
	s6 =	ssub.s32 $0x40, s3;
	s16 =	smov.u32 s3  }
0xa: {  	s7 =	sshrl.u32 s6, $0x6;
	s6 =	sand.u32 $0x3C, s6;
	s8 =	ssub.s32 $0x24000, s5  }
0xb: {  	p0 =	sne.s32 s6, $0x0;
	s30 =	sshrl.u32 s8, $0x7;
	s8 =	sshrl.u32 s8, $0x8  }
.Ltmp0:
0xc: {  	s9 =	simm.s32 @!p0 $0x0;
	s11 =	sand.u32 $0x1, s30;
	(pc) =	sbr.rel .LBB1_1-.Ltmp0, $4  }
0xd: {  	s6 =	simm.s32 $0x1;
	s7 =	sadd.s32 s9, s7;
	s8 =	sadd.s32 s8, s11  }
0xe: {  	s15 =	smov.u32 s5;
	[sflag:s6] =	ssyncpa.u1 $0x0;
	s7 =	smul.u32 s7, s8  }
0xf: {  	p0 =	por $0x0, $0x0;
	[sflag:s31] =	ssyncpa.u1 $0x0;
	s9 =	sadd.s32 $0x7E1800, s10  }
0x10: {  	s8 =	sadd.s32 $0x5A1800, s10;
	s10 =	sadd.s32 $0xA21800, s10;
	s11 =	sadd.s32 $0x1, s7  }
.LBB1_7:
0x11: {  	p1 =	slt.u32 s17, $0x2  }
0x12: {  	s21 =	smov.u32 s19;
	p2 =	sgt.s32 @!p1 s19, $0x3C;
	s20 =	sshra.s32 @!p1 s19, $0x1F  }
0x13: {  	p3 =	sgt.s32 @!p1 s18, $0x23F80;
	s22 =	sshra.s32 @!p1 s18, $0x1F;
	p2 =	por !p2, p1  }
0x14: {  	s19 =	sand.u32 @!p1 s20, s19;
	p3 =	por !p3, p1;
	s20 =	smov.u32 s18  }
0x15: {  	s18 =	sand.u32 @!p1 s22, s18;
	s21 =	simm.s32 @p2 $0x3C;
	s20 =	simm.s32 @p3 $0x23F80  }
0x16: {  	s22 =	smov.u32 s16;
	s19 =	ssub.s32 @!p1 s21, s19;
	s18 =	ssub.s32 @!p1 s20, s18  }
0x17: {  	s20 =	sadd.s32 @!p1 $0xFFFFFFC4, s19;
	s19 =	ssub.s32 @!p1 $0x40, s19;
	s21 =	sadd.s32 @!p1 $0xFFFDC080, s18  }
0x18: {  	p2 =	sgt.s32 @!p1 s20, $0x3;
	s19 =	smul.u32 @!p1 $0x3, s19;
	p3 =	sgt.s32 @!p1 s21, $0x7F  }
0x19: {  	s18 =	ssub.s32 @!p1 $0x24000, s18;
	p2 =	por !p2, p1;
	p3 =	por !p3, p1  }
0x1a: {  	s20 =	sadd.s32 $0x100, s15;
	s19 =	simm.s32 @!p2 $0x0;
	s18 =	simm.s32 @!p3 $0x0  }
0x1b: {  	p2 =	sgt.s32 s20, $0x23FFF;
	s18 =	smul.u32 @!p1 s18, s19;
	s19 =	sadd.s32 $0x40, s16  }
0x1c: {  	s22 =	smov.u32 @p2 s19  }
0x1d: {  	s20 =	smov.u32 @p2 s5;
	p2 =	sgt.s32 s22, $0x3F  }
0x1e: {  	s22 =	smov.u32 @p2 s3;
	p2 =	sne.s32 s17, s11  }
.Ltmp1:
0x1f: {  	p0 =	por !p0, !p0;
	s21 =	simm.s32 @!p1 $0x2;
	(pc) =	sbr.rel @!p2 .LBB1_8-.Ltmp1, $4  }
0x20: {  	s19 =	smov.u32 s14;
	s14 =	smov.u32 s16;
	s18 =	sand.u32 @!p1 $0x3FFFFFFF, s18  }
0x21: {  	_ =	swait.ge @!p1 [sflag:s21], s18;
	s23 =	ssub.s32 @!p1 $0x0, s18;
	s18 =	smov.u32 s13  }
0x22: {  	s17 =	sadd.s32 $0x1, s17;
	s13 =	smov.u32 s15;
	[sflag:s21] =	ssyncset.done @!p1 $0x0  }
0x23: {  	s15 =	smov.u32 s20;
	s16 =	smov.u32 s22;
	[sflag:s21] =	ssyncadd.s32 @!p1 s23  }
.LBB1_1:
0x24: {  	p1 =	sge.u32 s17, s7  }
0x25: {  	s20 =	sand.u32 @!p1 $0x1FFFFFF, s15  }
0x26: {  	s21 =	smulhi.u32 @!p1 $0xE38E39, s20;
	_ =	sdelay $0x1  }
0x27: {  	s21 =	sshrl.u32 @!p1 s21, $0x9  }
0x28: {  	s21 =	smul.u32 @!p1 $0x24000, s21  }
0x29: {  	s22 =	sxor.u32 @!p1 $0xFFFFFFFF, s17;
	s23 =	smul.u32 @!p1 $0x240000, s16  }
0x2a: {  	s22 =	sshll.u32 @!p1 s22, $0xE;
	s20 =	ssub.s32 @!p1 s20, s21  }
0x2b: {  	s21 =	sand.u32 @!p1 $0x4000, s22;
	s22 =	sadd.s32 @!p1 s4, s23;
	s20 =	sshll.u32 @!p1 s20, $0x4  }
0x2c: {  	s24 =	simm.s32 @!p1 $0x20;
	s25 =	simm.s32 @!p1 $0x80;
	s22 =	sadd.s32 @!p1 s20, s22  }
0x2d: {  	[tilespmem:s21], [sflag:$0x1] =	stream.strided.gather @!p1 [hbm4b:s22+s24], $0x1000, s25, s24, $0x38;
	[tilespmem:$0x10100] =	vst v63  }
0x2e: {  	s22 =	sadd.s32 @!p1 s23, s8  }
0x2f: {  	s26 =	sor.u32 @!p1 $0x1000, s21;
	s22 =	sadd.s32 @!p1 s20, s22  }
0x30: {  	[tilespmem:s26], [sflag:$0x1] =	stream.strided.gather @!p1 [hbm4b:s22+s24], $0x1000, s25, s24, $0x38;
	[tilespmem:$0x10100] =	vst v63  }
0x31: {  	s22 =	sadd.s32 @!p1 s23, s9  }
0x32: {  	s26 =	sor.u32 @!p1 $0x2000, s21;
	s22 =	sadd.s32 @!p1 s20, s22  }
0x33: {  	[tilespmem:s26], [sflag:$0x1] =	stream.strided.gather @!p1 [hbm4b:s22+s24], $0x1000, s25, s24, $0x38;
	[tilespmem:$0x10100] =	vst v63  }
0x34: {  	s22 =	sadd.s32 @!p1 s23, s10  }
0x35: {  	s31 =	sadd.s32 $0xFFFFFFFF, s17;
	s21 =	sor.u32 @!p1 $0x3000, s21;
	s20 =	sadd.s32 @!p1 s20, s22  }
0x36: {  	[tilespmem:s21], [sflag:$0x1] =	stream.strided.gather @!p1 [hbm4b:s20+s24], $0x1000, s25, s24, $0x38;
	[tilespmem:$0x10100] =	vst v63  }
0x37: {  	p1 =	sge.u32 s31, s7  }
.Ltmp2:
0x38: {  	_ = 	snop;
	(pc) =	sbr.rel @p1 .LBB1_7-.Ltmp2, $1  }
0x39: {  	_ =	sdelay $0x3  }
0x3a: {  	s20 =	simm.s32 $0x1;
	s22 =	sand.u32 $0x1, s17  }
0x3b: {  	_ =	swait.ge [sflag:s6], $0x4000;
	s20 =	simm.s32 @!p0 $0x0;
	s23 =	smul.u32 $0x10200, s22  }
0x3c: {  	[sflag:s6] =	ssyncset.done $0x0;
	s21 =	smul.u32 $0x10200, s20  }
0x3d: {  	s20 =	sshll.u32 s20, $0xE;
	[sflag:s6] =	ssyncadd.s32 $0xFFFFC000  }
0x3e: {  	s22 =	sor.u32 $0x10, s20;
	s31 =	sshrl.u32 s23, $0x2;
	s21 =	sshrl.u32 s21, $0x2  }
0x3f: {  	s23 =	simm.s32 $0x0;
	s20 =	sor.u32 $0x8000, s31;
	s21 =	sor.u32 $0x8000, s21  }
.LBB1_3:
0x40: {  	v1 =	vld [tilespmem:s22+$0x0]  }
0x41: {  	v0 =	vld [tilespmem:s22+$0xFFFFFFF0];
	_ =	sdelay $0x2  }
0x42: {  	s26 =	sadd.s32 $0x0, s21  }
0x43: {  	s24 =	simm.s32 $0x4;
	s25 =	sadd.s32 $0x20, s22;
	[tilespmem:s26+$0x2040 ss:$0x204] =	vst.msk $0xffff, v1  }
.LBB1_4:
0x44: {  	v1 =	vld [tilespmem:s25+$0x0];
	p1 =	sne.s32 s24, $0x1FC;
	[tilespmem:s26+$0x0 ss:$0x204] =	vst.msk $0xffff, v0;
	s26 =	smov.u32 s24;
	s24 =	sadd.s32 $0x4, s24  }
.Ltmp3:
0x45: {  	v0 =	vld [tilespmem:s25+$0xFFFFFFF0];
	(pc) =	sbr.rel @p1 .LBB1_4-.Ltmp3, $4  }
0x46: {  	_ = 	snop  }
0x47: {  	s26 =	sshra.s32 s26, $0x2  }
0x48: {  	s26 =	sadd.s32 s26, s21  }
0x49: {  	s25 =	sadd.s32 $0x20, s25;
	[tilespmem:s26+$0x2040 ss:$0x204] =	vst.msk $0xffff, v1  }
0x4a: {  	s23 =	sadd.s32 $0x1, s23  }
0x4b: {  	p1 =	sne.s32 s23, $0x4  }
.Ltmp4:
0x4c: {  	_ = 	snop;
	(pc) =	sbr.rel @p1 .LBB1_3-.Ltmp4, $2  }
0x4d: {  	_ =	sdelay $0x2  }
0x4e: {  	[tilespmem:s26+$0x0 ss:$0x204] =	vst.msk $0xffff, v0;
	s21 =	sadd.s32 $0x81, s21;
	s22 =	sadd.s32 $0x1000, s22  }
0x4f: {  	s21 =	sshrl.u32 s14, $0x3  }
0x50: {  	s22 =	sshll.u32 s13, $0x3;
	s23 =	sshll.u32 s14, $0x7;
	s24 =	sand.u32 $0x7F, s13  }
0x51: {  	p1 =	sgt.s32 s14, $0x3C;
	s25 =	sshra.s32 s14, $0x1F;
	s21 =	smul.u32 $0x120000, s21  }
0x52: {  	s22 =	sand.u32 $0xFFFFFC00, s22;
	s23 =	sand.u32 $0x380, s23;
	s25 =	sand.u32 s25, s14  }
0x53: {  	s26 =	sor.u32 s24, s23;
	s24 =	smov.u32 s14;
	s21 =	sadd.s32 s21, s22  }
0x54: {  	s24 =	simm.s32 @!p1 $0x3C;
	p1 =	sgt.s32 s13, $0x23F80;
	s22 =	sor.u32 s21, s26  }
0x55: {  	s24 =	ssub.s32 s24, s25;
	s25 =	smov.u32 s13;
	s21 =	smulhi.u32 $0x38E38E39, s21  }
0x56: {  	s26 =	sshra.s32 s13, $0x1F;
	s27 =	smulhi.u32 $0x38E38E39, s22;
	s25 =	simm.s32 @!p1 $0x23F80  }
0x57: {  	s26 =	sand.u32 s26, s13;
	s28 =	sadd.s32 $0xFFFFFFC4, s24;
	s24 =	ssub.s32 $0x40, s24  }
0x58: {  	s25 =	ssub.s32 s25, s26;
	p1 =	sgt.s32 s28, $0x3;
	s24 =	smul.u32 $0x3, s24  }
0x59: {  	s21 =	sshrl.u32 s21, $0xF;
	s23 =	sshrl.u32 s27, $0xF;
	s29 =	sadd.s32 $0xFFFDC080, s25  }
0x5a: {  	s25 =	ssub.s32 $0x24000, s25;
	s21 =	sand.u32 $0x3F, s21;
	s23 =	smul.u32 $0x24000, s23  }
0x5b: {  	p2 =	sgt.s32 s29, $0x7F;
	s24 =	simm.s32 @p1 $0x0;
	s21 =	smul.u32 $0x4800, s21  }
.Ltmp5:
0x5c: {  	s25 =	simm.s32 @p2 $0x0;
	s22 =	ssub.s32 s22, s23;
	(pc) =	sbr.rel .LBB1_7-.Ltmp5, $4  }
0x5d: {  	s30 =	smul.u32 s25, s24;
	s31 =	sshrl.u32 s22, $0x3;
	s22 =	sand.u32 $0x7, s22  }
0x5e: {  	s24 =	sadd.s32 s2, s31;
	s22 =	sshll.u32 s22, $0x12  }
0x5f: {  	s23 =	sand.u32 $0x3FFFFFFF, s30;
	s21 =	sadd.s32 s21, s24;
	s22 =	sor.u32 $0x200, s22  }
0x60: {  	[hbm4b:s21+s22] =	stream.strided.scatter [tilespmem:s20], [sflag:$0x2], s23, s12, s22, $0x20;
	[tilespmem:$0x10100] =	vst v63  }
.LBB1_8:
0x61: {  	_ =	sfence.sel $0x180000  }
0x62: {  	s2 =	simm.s32 $0x1;
	[bflag:$0x0] =	sbarrier.arrive $0xFFFF  }
0x63: {  	s31 =	simm.s32 $0x2;
	[sflag:s2] =	ssyncpa.u1 $0x1  }
0x64: {  	[sflag:s31] =	ssyncpa.u1 $0x1  }
0x65: {  	p0 =	sne.s32 s1, $0x0;
	_ =	strace $0x9000004A  }
0x66: {  	s0 =	sadd.s32 @!p0 $0x100000, s0;
	[bflag:$0x2] =	sbarrier.arrive $0xFFFF  }
0x67: {  	[sflag:s0] =	ssyncadd.tile.s32 @!p0 $0x1;
	_ =	shalt  }
.Lfunc_end1:
_tile_overlayer_lowered:
.L_overlay_start_2:
0x68: {  	(tag) =	ssettag $0x2  }
0x69: {  	s0 =	rddreg [dreg:$0x0];
	s2 =	stileid.u32  }
0x6a: {  	s1 =	rddreg [dreg:$0x1];
	p0 =	sne.s32 s2, $0x0  }
0x6b: {  	s3 =	rddreg [dreg:$0x2];
	[bflag:$0x3] =	sbarrier.arrive $0xFFFF;
	s2 =	simm.s32 @!p0 $0x1C01  }
0x6c: {  	[timem:s3], [sflag:s2] =	dma.local @!p0 [hbm:s0], s1  }
0x6d: {  	s0 =	simm.s32 @!p0 $0x1  }
0x6e: {  	_ =	swait.ge @!p0 [sflag:s0], s1  }
0x6f: {  	s1 =	ssub.s32 @!p0 $0x0, s1;
	[sflag:s0] =	ssyncset.done @!p0 $0x0  }
0x70: {  	[sflag:s0] =	ssyncadd.s32 @!p0 s1  }
0x71: {  	[bflag:$0x3] =	sbarrier.arrive $0xFFFF  }
0x72: {  	_ =	shalt  }

</sc_bundles>
